<compile_context>
chip_gen: v7x
topology: tpu7x:2x2x1
jax: 0.10.2.dev20260603
libtpu: 0.0.44.dev20260713+nightly
codegen_flags: <defaults>
</compile_context>

<pallas_src>
import functools

import jax
import jax.numpy as jnp
from jax import lax
from jax.experimental import pallas as pl
from jax.experimental.pallas import tpu as pltpu, tpu_sc as plsc

F32 = jnp.float32
NC, NS = 2, 16
NW = NC * NS


def _klin(p, x):
    return x @ p["W"].T + p["b"]


def _kbn(x, p, eps=1e-5):
    mu = jnp.mean(x, axis=0)
    var = jnp.var(x, axis=0)
    return (x - mu) / jnp.sqrt(var + eps) * p["g"] + p["b"]


def _ksilu(x):
    return x * jax.nn.sigmoid(x)


def _kmlp(p, x):
    return _ksilu(_kbn(_klin(p["lin"], x), p["norm"]))


def _krbf(x, vmin, vmax, bins):
    centers = jnp.linspace(vmin, vmax, bins, dtype=jnp.float32)
    gamma = 1.0 / ((vmax - vmin) / (bins - 1))
    return jnp.exp(-gamma * (x[:, None] - centers[None, :]) ** 2)




def _sc_edge_body(nchunks, C, rows_per_sub,
                  t1_hbm, t2_hbm, ey_hbm, src_hbm, dst_hbm, zeros_hbm,
                  eout_hbm, s_hbm,
                  sidx, didx, t1v, t2v, eyv, msv, acc, sem1, sem2):
    c = lax.axis_index("c")
    s = lax.axis_index("s")
    wid = s * NC + c
    per_w = nchunks * C

    @pl.when(s == 0)
    def _zero():
        pltpu.sync_copy(zeros_hbm, acc)

    plsc.subcore_barrier()

    def chunk(k, _):
        off = wid * per_w + k * C
        pltpu.sync_copy(src_hbm.at[pl.ds(off, C)], sidx)
        pltpu.sync_copy(dst_hbm.at[pl.ds(off, C)], didx)
        g1 = pltpu.async_copy(t1_hbm.at[sidx], t1v, sem1)
        g2 = pltpu.async_copy(t2_hbm.at[didx], t2v, sem2)
        pltpu.sync_copy(ey_hbm.at[pl.ds(off, C)], eyv)
        g1.wait()
        g2.wait()

        def edge(j, _):
            e = t1v[j, 0:16] + t2v[j] + eyv[j]
            t2v[j] = e
            sig = 1.0 / (1.0 + jnp.exp(-e))
            msv[j, 0:16] = t1v[j, 16:32] * sig
            msv[j, 16:32] = sig
            return _

        lax.fori_loop(0, C, edge, None)
        pltpu.sync_copy(t2v, eout_hbm.at[pl.ds(off, C)])
        pltpu.sync_copy(msv, acc.at[didx], add=True)
        return _

    lax.fori_loop(0, nchunks, chunk, None)
    plsc.subcore_barrier()
    n_nodes = zeros_hbm.shape[0]
    tail = n_nodes - (NS - 1) * rows_per_sub
    r0 = s * rows_per_sub

    @pl.when(s < NS - 1)
    def _flush():
        pltpu.sync_copy(acc.at[pl.ds(r0, rows_per_sub)],
                        s_hbm.at[c].at[pl.ds(r0, rows_per_sub)])

    @pl.when(s == NS - 1)
    def _flush_tail():
        pltpu.sync_copy(acc.at[pl.ds((NS - 1) * rows_per_sub, tail)],
                        s_hbm.at[c].at[pl.ds((NS - 1) * rows_per_sub, tail)])


@functools.partial(jax.jit, static_argnames=("n_nodes", "n_edges"))
def _sc_edge_call(t1, t2, ey, src, dst, zeros, n_nodes, n_edges):
    assert n_edges % NW == 0
    per_w = n_edges // NW
    C = 1000
    assert per_w % C == 0
    nchunks = per_w // C
    rows_per_sub = (n_nodes // NS) // 8 * 8
    mesh = plsc.VectorSubcoreMesh(core_axis_name="c", subcore_axis_name="s")
    body = functools.partial(_sc_edge_body, nchunks, C, rows_per_sub)
    f = pl.kernel(
        body,
        out_type=[jax.ShapeDtypeStruct((n_edges, 16), F32),
                  jax.ShapeDtypeStruct((NC, n_nodes, 32), F32)],
        mesh=mesh,
        scratch_types=[
            pltpu.VMEM((C,), jnp.int32),
            pltpu.VMEM((C,), jnp.int32),
            pltpu.VMEM((C, 32), F32),
            pltpu.VMEM((C, 16), F32),
            pltpu.VMEM((C, 16), F32),
            pltpu.VMEM((C, 32), F32),
            pltpu.VMEM_SHARED((n_nodes, 32), F32),
            pltpu.SemaphoreType.DMA,
            pltpu.SemaphoreType.DMA,
        ],
        compiler_params=pltpu.CompilerParams(use_tc_tiling_on_sc=False),
    )
    return f(t1, t2, ey, src, dst, zeros)




def _rbf_block(h, vmin, vmax, bins):
    step = (vmax - vmin) / (bins - 1)
    centers = (vmin + jax.lax.broadcasted_iota(jnp.int32, (1, bins), 1)
               .astype(F32) * step)
    gamma = 1.0 / step
    return jnp.exp(-gamma * (h[:, None] - centers) ** 2)


def _tc_rbf_stats_body(vmin, vmax, bins, nsteps, n, B,
                       h_ref, w1_ref, o_ref, acc):
    i = pl.program_id(0)

    @pl.when(i == 0)
    def _init():
        acc[...] = jnp.zeros_like(acc)

    t1 = jnp.dot(_rbf_block(h_ref[...], vmin, vmax, bins), w1_ref[...].T,
                 preferred_element_type=F32)
    mask = (i * B + jax.lax.broadcasted_iota(jnp.int32, (B, 1), 0)) < n
    t1 = jnp.where(mask, t1, 0.0)
    acc[0] += jnp.sum(t1, axis=0)
    acc[1] += jnp.sum(t1 * t1, axis=0)

    @pl.when(i == nsteps - 1)
    def _out():
        o_ref[...] = acc[...]


def _tc_rbf_mid_body(vmin, vmax, bins, nsteps, n, B,
                     h_ref, w1_ref, b1_ref, g1_ref, bb1_ref, s1_ref,
                     w2_ref, b2_ref, o_ref, so_ref, acc):
    i = pl.program_id(0)

    @pl.when(i == 0)
    def _init():
        acc[...] = jnp.zeros_like(acc)

    t1 = jnp.dot(_rbf_block(h_ref[...], vmin, vmax, bins), w1_ref[...].T,
                 preferred_element_type=F32) + b1_ref[...]
    mu_nb = s1_ref[0] * (1.0 / n)
    var = s1_ref[1] * (1.0 / n) - mu_nb * mu_nb
    mu = mu_nb + b1_ref[...]
    u = (t1 - mu) * jax.lax.rsqrt(var + 1e-5) * g1_ref[...] + bb1_ref[...]
    u = u * jax.nn.sigmoid(u)
    t2 = jnp.dot(u, w2_ref[...].T, preferred_element_type=F32) + b2_ref[...]
    mask = (i * B + jax.lax.broadcasted_iota(jnp.int32, (B, 1), 0)) < n
    t2m = jnp.where(mask, t2, 0.0)
    acc[0] += jnp.sum(t2m, axis=0)
    acc[1] += jnp.sum(t2m * t2m, axis=0)
    o_ref[...] = t2

    @pl.when(i == nsteps - 1)
    def _out():
        so_ref[...] = acc[...]


def _tc_rbf_mlp2(h, vmin, vmax, bins, p1, p2, B):
    n = h.shape[0]
    npad = -(-n // B) * B
    if npad != n:
        h = jnp.pad(h, (0, npad - n))
    nsteps = npad // B
    w1, b1 = p1["lin"]["W"], p1["lin"]["b"]
    g1, bb1 = p1["norm"]["g"], p1["norm"]["b"]
    w2, b2 = p2["lin"]["W"], p2["lin"]["b"]
    d1 = w1.shape[0]
    stats1 = pl.pallas_call(
        functools.partial(_tc_rbf_stats_body, vmin, vmax, bins, nsteps, n, B),
        grid=(nsteps,),
        in_specs=[pl.BlockSpec((B,), lambda i: (i,)),
                  pl.BlockSpec((d1, bins), lambda i: (0, 0))],
        out_specs=pl.BlockSpec((2, d1), lambda i: (0, 0)),
        out_shape=jax.ShapeDtypeStruct((2, d1), F32),
        scratch_shapes=[pltpu.VMEM((2, d1), F32)],
    )(h, w1)
    t2g, stats2 = pl.pallas_call(
        functools.partial(_tc_rbf_mid_body, vmin, vmax, bins, nsteps, n, B),
        grid=(nsteps,),
        in_specs=[pl.BlockSpec((B,), lambda i: (i,)),
                  pl.BlockSpec((d1, bins), lambda i: (0, 0)),
                  pl.BlockSpec((d1,), lambda i: (0,)),
                  pl.BlockSpec((d1,), lambda i: (0,)),
                  pl.BlockSpec((d1,), lambda i: (0,)),
                  pl.BlockSpec((2, d1), lambda i: (0, 0)),
                  pl.BlockSpec((16, d1), lambda i: (0, 0)),
                  pl.BlockSpec((16,), lambda i: (0,))],
        out_specs=[pl.BlockSpec((B, 16), lambda i: (i, 0)),
                   pl.BlockSpec((2, 16), lambda i: (0, 0))],
        out_shape=[jax.ShapeDtypeStruct((npad, 16), F32),
                   jax.ShapeDtypeStruct((2, 16), F32)],
        scratch_shapes=[pltpu.VMEM((2, 16), F32)],
    )(h, w1, b1, g1, bb1, stats1, w2, b2)
    if npad != n:
        t2g = t2g[:n]
    return t2g, stats2


def _bn_from_stats(x, stats, n, g, b, eps=1e-5):
    mu = stats[0] / n
    var = stats[1] / n - mu * mu
    return (x - mu) * jax.lax.rsqrt(var + eps) * g + b




def _sc_lgcompute_body(nchunks, C,
                       t1_hbm, t2_hbm, ey_hbm, src_hbm, dst_hbm,
                       eout_hbm, msg_hbm, sig_hbm,
                       sidx, didx, t1v, t2v, eyv, msgv, sigv, sem1, sem2):
    c = lax.axis_index("c")
    s = lax.axis_index("s")
    wid = s * NC + c
    per_w = nchunks * C

    def chunk(k, _):
        off = wid * per_w + k * C
        pltpu.sync_copy(src_hbm.at[pl.ds(off, C)], sidx)
        pltpu.sync_copy(dst_hbm.at[pl.ds(off, C)], didx)
        g1 = pltpu.async_copy(t1_hbm.at[sidx], t1v, sem1)
        g2 = pltpu.async_copy(t2_hbm.at[didx], t2v, sem2)
        pltpu.sync_copy(ey_hbm.at[pl.ds(off, C)], eyv)
        g1.wait()
        g2.wait()

        def edge(j, _):
            e = t1v[j, 0:16] + t2v[j] + eyv[j]
            t2v[j] = e
            sig = 1.0 / (1.0 + jnp.exp(-e))
            msgv[j] = t1v[j, 16:32] * sig
            sigv[j] = sig
            return _

        lax.fori_loop(0, C, edge, None)
        pltpu.sync_copy(t2v, eout_hbm.at[pl.ds(off, C)])
        pltpu.sync_copy(msgv, msg_hbm.at[pl.ds(off, C)])
        pltpu.sync_copy(sigv, sig_hbm.at[pl.ds(off, C)])
        return _

    lax.fori_loop(0, nchunks, chunk, None)


def _sc_lgscatter_body(nchunks, C, R, n_seg,
                       msg_hbm, sig_hbm, pidx_hbm, zeros_hbm,
                       s_hbm,
                       didx0, didx1, msv0, msv1, acc, sem1):
    c = lax.axis_index("c")
    s = lax.axis_index("s")
    wid = s * NC + c
    per_w = nchunks * C
    half = n_seg // 2
    rps = half // NS
    didxs = (didx0, didx1)
    msvs = (msv0, msv1)

    for t, val_hbm in enumerate((msg_hbm, sig_hbm)):
        for p in range(2):
            @pl.when(s == 0)
            def _zero():
                pltpu.sync_copy(zeros_hbm, acc)

            plsc.subcore_barrier()

            def outer(kk, _):
                for b in range(2):
                    k = kk * 2 + b

                    @pl.when(kk > 0)
                    def _drain():
                        pltpu.make_async_copy(
                            msvs[b], acc.at[didxs[b]], sem1).wait()

                    off = wid * per_w + k * C
                    pltpu.sync_copy(pidx_hbm.at[p].at[pl.ds(off, C)], didxs[b])
                    pltpu.sync_copy(val_hbm.at[pl.ds(off, C)], msvs[b])
                    pltpu.async_copy(msvs[b], acc.at[didxs[b]], sem1, add=True)
                return _

            lax.fori_loop(0, nchunks // 2, outer, None)
            for b in range(2):
                pltpu.make_async_copy(msvs[b], acc.at[didxs[b]], sem1).wait()
            plsc.subcore_barrier()
            pltpu.sync_copy(
                acc.at[pl.ds(s * rps, rps)],
                s_hbm.at[c].at[t].at[pl.ds(p * half + s * rps, rps)])
            plsc.subcore_barrier()


@functools.partial(jax.jit, static_argnames=("n_seg", "n_edges"))
def _sc_lg_call(t1, t2, ey, src, dst, pidx, zeros_r, n_seg, n_edges):
    per_w = n_edges // NW
    C = 1000
    nchunks = per_w // C
    mesh = plsc.VectorSubcoreMesh(core_axis_name="c", subcore_axis_name="s")
    R = zeros_r.shape[0]
    fc = pl.kernel(
        functools.partial(_sc_lgcompute_body, nchunks, C),
        out_type=[jax.ShapeDtypeStruct((n_edges, 16), F32),
                  jax.ShapeDtypeStruct((n_edges, 16), F32),
                  jax.ShapeDtypeStruct((n_edges, 16), F32)],
        mesh=mesh,
        scratch_types=[
            pltpu.VMEM((C,), jnp.int32),
            pltpu.VMEM((C,), jnp.int32),
            pltpu.VMEM((C, 32), F32),
            pltpu.VMEM((C, 16), F32),
            pltpu.VMEM((C, 16), F32),
            pltpu.VMEM((C, 16), F32),
            pltpu.VMEM((C, 16), F32),
            pltpu.SemaphoreType.DMA,
            pltpu.SemaphoreType.DMA,
        ],
        compiler_params=pltpu.CompilerParams(use_tc_tiling_on_sc=False),
    )
    e_out, msg, sig = fc(t1, t2, ey, src, dst)
    fs = pl.kernel(
        functools.partial(_sc_lgscatter_body, nchunks, C, R, n_seg),
        out_type=jax.ShapeDtypeStruct((NC, 2, n_seg, 16), F32),
        mesh=mesh,
        scratch_types=[
            pltpu.VMEM((C,), jnp.int32),
            pltpu.VMEM((C,), jnp.int32),
            pltpu.VMEM((C, 16), F32),
            pltpu.VMEM((C, 16), F32),
            pltpu.VMEM_SHARED((R, 16), F32),
            pltpu.SemaphoreType.DMA,
        ],
        compiler_params=pltpu.CompilerParams(use_tc_tiling_on_sc=False),
    )
    s_out = fs(msg, sig, pidx, zeros_r)
    return e_out, s_out


def _keggc_lg_sc(p, src, dst, node_feats, edge_feats, n_seg, pidx, zeros_r):
    n_edges = src.shape[0]
    x = _ksilu(_kbn(node_feats, p["norm_nodes"]))
    y = _ksilu(_kbn(edge_feats, p["norm_edges"]))
    t1 = jnp.concatenate([_klin(p["src_gate"], x), _klin(p["dst_update"], x)], axis=1)
    t2 = _klin(p["dst_gate"], x)
    ey = _klin(p["edge_gate"], y)
    e_out, s_out = _sc_lg_call(t1, t2, ey, src, dst, pidx, zeros_r, n_seg, n_edges)
    ssum = s_out[0] + s_out[1]
    h = ssum[0] / (ssum[1] + 1e-6)
    x_out = node_feats + _klin(p["src_update"], x) + h
    y2 = edge_feats + e_out
    return x_out, y2


def _keggc_sc(p, src, dst, node_feats, edge_feats, n_nodes, residual, zeros):
    n_edges = src.shape[0]
    x = _ksilu(_kbn(node_feats, p["norm_nodes"]))
    y = _ksilu(_kbn(edge_feats, p["norm_edges"]))
    t1 = jnp.concatenate([_klin(p["src_gate"], x), _klin(p["dst_update"], x)], axis=1)
    t2 = _klin(p["dst_gate"], x)
    ey = _klin(p["edge_gate"], y)
    e_out, s_out = _sc_edge_call(t1, t2, ey, src, dst, zeros, n_nodes, n_edges)
    ssum = s_out[0] + s_out[1]
    h = ssum[:, 0:16] / (ssum[:, 16:32] + 1e-6)
    x_out = _klin(p["src_update"], x) + h
    y2 = e_out
    if residual:
        x_out = node_feats + x_out
        y2 = edge_feats + y2
    return x_out, y2


def kernel(atom_features, r, lg_h, params, edge_index, lg_edge_index):
    src, dst = edge_index[0], edge_index[1]
    lsrc, ldst = lg_edge_index[0], lg_edge_index[1]
    n_nodes = atom_features.shape[0]
    n_edges = r.shape[0]
    n_lg = lg_h.shape[0]
    zeros_n = jnp.zeros((n_nodes, 32), F32)
    half = n_edges // 2
    zeros_r = jnp.zeros((half + 64, 16), F32)
    spread = half + (jnp.arange(ldst.shape[0], dtype=jnp.int32) % 64)
    pidx = jnp.stack([
        jnp.where((ldst >= p * half) & (ldst < (p + 1) * half), ldst - p * half, spread)
        for p in range(2)])
    t2z, zst2 = _tc_rbf_mlp2(lg_h, -1.0, 1.0, 180,
                             params["angle_mlp1"], params["angle_mlp2"], 8192)
    z = _ksilu(_bn_from_stats(t2z, zst2, n_lg,
                              params["angle_mlp2"]["norm"]["g"],
                              params["angle_mlp2"]["norm"]["b"]))
    bondlength = jnp.linalg.norm(r, axis=1)
    t2y, yst2 = _tc_rbf_mlp2(bondlength, 0.0, 8.0, 40,
                             params["edge_mlp1"], params["edge_mlp2"], 8192)
    y = _ksilu(_bn_from_stats(t2y, yst2, n_edges,
                              params["edge_mlp2"]["norm"]["g"],
                              params["edge_mlp2"]["norm"]["b"]))
    x = _kmlp(params["atom_mlp"], atom_features)
    for lp in params["alignn"]:
        x, m = _keggc_sc(lp["node_update"], src, dst, x, y, n_nodes, True, zeros_n)
        y, z = _keggc_lg_sc(lp["edge_update"], lsrc, ldst, m, z, n_edges, pidx, zeros_r)
    xs = [x]
    ys = [y]
    for gp in params["gcn"]:
        nx, ny = _keggc_sc(gp, src, dst, jnp.concatenate(xs, axis=1),
                           jnp.concatenate(ys, axis=1), n_nodes, False, zeros_n)
        xs.append(nx)
        ys.append(ny)
    x = jnp.concatenate(xs, axis=1)
    h = jnp.mean(x, axis=0, keepdims=True)
    out = _klin(params["fc"], h)
    return jnp.squeeze(out)

# --- scband reference (transcript-rebuilt; emitter-appended) ---
"""Pipeline reference for scband-dense-alignn-33234456937040 (READ-ONLY COPY).

The authoritative reference and input builder live on the scoring server;
editing this copy changes nothing except your own understanding.
"""

import jax, jax.numpy as jnp
import numpy as np

N_NODES = 10000
N_EDGES = 160000
N_LG_EDGES = 320000

def _lin(p, x):
    return x @ p["W"].T + p["b"]

def _bn(x, p, eps=1e-5):
    mu = jnp.mean(x, axis=0)
    var = jnp.var(x, axis=0)
    return (x - mu) / jnp.sqrt(var + eps) * p["g"] + p["b"]

def _silu(x):
    return x * jax.nn.sigmoid(x)

def _mlp(p, x):
    return _silu(_bn(_lin(p["lin"], x), p["norm"]))

def _rbf(x, vmin, vmax, bins):
    centers = jnp.linspace(vmin, vmax, bins, dtype=jnp.float32)
    gamma = 1.0 / ((vmax - vmin) / (bins - 1))
    return jnp.exp(-gamma * (x[:, None] - centers[None, :]) ** 2)

def _eggc(p, src, dst, node_feats, edge_feats, n_nodes, residual):
    x = _silu(_bn(node_feats, p["norm_nodes"]))
    y = _silu(_bn(edge_feats, p["norm_edges"]))
    e_nodes = _lin(p["src_gate"], x)[src] + _lin(p["dst_gate"], x)[dst]
    y2 = e_nodes + _lin(p["edge_gate"], y)
    sigma = jax.nn.sigmoid(y2)
    Bh = _lin(p["dst_update"], x)
    sum_sigma_h = jax.ops.segment_sum(Bh[src] * sigma, dst, num_segments=n_nodes)
    sum_sigma = jax.ops.segment_sum(sigma, dst, num_segments=n_nodes)
    h = sum_sigma_h / (sum_sigma + 1e-6)
    x_out = _lin(p["src_update"], x) + h
    if residual:
        x_out = node_feats + x_out
        y2 = edge_feats + y2
    return x_out, y2

def _forward(atom_features, r, lg_h, params, edge_index, lg_edge_index):
    src, dst = edge_index[0], edge_index[1]
    lsrc, ldst = lg_edge_index[0], lg_edge_index[1]
    n_nodes = atom_features.shape[0]
    n_edges = r.shape[0]
    z = _rbf(lg_h, -1.0, 1.0, 180)
    z = _mlp(params["angle_mlp2"], _mlp(params["angle_mlp1"], z))
    x = _mlp(params["atom_mlp"], atom_features)
    bondlength = jnp.linalg.norm(r, axis=1)
    y = _rbf(bondlength, 0.0, 8.0, 40)
    y = _mlp(params["edge_mlp2"], _mlp(params["edge_mlp1"], y))
    for lp in params["alignn"]:
        x, m = _eggc(lp["node_update"], src, dst, x, y, n_nodes, True)
        y, z = _eggc(lp["edge_update"], lsrc, ldst, m, z, n_edges, True)
    xs = [x]
    ys = [y]
    for gp in params["gcn"]:
        nx, ny = _eggc(gp, src, dst, jnp.concatenate(xs, axis=1), jnp.concatenate(ys, axis=1), n_nodes, False)
        xs.append(nx)
        ys.append(ny)
    x = jnp.concatenate(xs, axis=1)
    h = jnp.mean(x, axis=0, keepdims=True)
    out = _lin(params["fc"], h)
    return jnp.squeeze(out)

def _lin_p(k, din, dout):
    W = (jax.random.normal(k, (dout, din), dtype=jnp.float32) * np.sqrt(2.0 / din)).astype(jnp.float32)
    return {"W": W, "b": jnp.zeros((dout,), jnp.float32)}

def _norm_p(d):
    return {"g": jnp.ones((d,), jnp.float32), "b": jnp.zeros((d,), jnp.float32)}

def _mlp_p(k, din, dout):
    return {"lin": _lin_p(k, din, dout), "norm": _norm_p(dout)}

def _eggc_p(k, din, dout):
    k1, k2, k3, k4, k5 = jax.random.split(k, 5)
    return {"norm_nodes": _norm_p(din), "norm_edges": _norm_p(din),
            "src_gate": _lin_p(k1, din, dout), "dst_gate": _lin_p(k2, din, dout),
            "edge_gate": _lin_p(k3, din, dout), "src_update": _lin_p(k4, din, dout),
            "dst_update": _lin_p(k5, din, dout)}

def setup_inputs(seed: int = 0):
    key = jax.random.key(seed)
    ks = list(jax.random.split(key, 32))
    atom_features = jax.random.normal(ks[0], (N_NODES, 1), dtype=jnp.float32)
    r = jax.random.normal(ks[1], (N_EDGES, 3), dtype=jnp.float32)
    lg_h = jax.random.uniform(ks[2], (N_LG_EDGES,), dtype=jnp.float32, minval=-1.0, maxval=1.0)
    edge_index = jax.random.randint(ks[3], (2, N_EDGES), 0, N_NODES, dtype=jnp.int32)
    lg_edge_index = jax.random.randint(ks[4], (2, N_LG_EDGES), 0, N_EDGES, dtype=jnp.int32)
    params = {
        "atom_mlp": _mlp_p(ks[5], 1, 16),
        "edge_mlp1": _mlp_p(ks[6], 40, 64),
        "edge_mlp2": _mlp_p(ks[7], 64, 16),
        "angle_mlp1": _mlp_p(ks[8], 180, 64),
        "angle_mlp2": _mlp_p(ks[9], 64, 16),
        "alignn": [
            {"node_update": _eggc_p(ks[10], 16, 16), "edge_update": _eggc_p(ks[11], 16, 16)},
            {"node_update": _eggc_p(ks[12], 16, 16), "edge_update": _eggc_p(ks[13], 16, 16)},
        ],
        "gcn": [_eggc_p(ks[14], 16, 16), _eggc_p(ks[15], 32, 16), _eggc_p(ks[16], 48, 16)],
        "fc": _lin_p(ks[17], 64, 1),
    }
    return {"atom_features": atom_features, "r": r, "lg_h": lg_h, "params": params,
            "edge_index": edge_index, "lg_edge_index": lg_edge_index}

def reference(atom_features, r, lg_h, params, edge_index, lg_edge_index):
    return _forward(atom_features, r, lg_h, params, edge_index, lg_edge_index)

if __name__ == "__main__":
    import jax
    _d = setup_inputs()
    print(jax.jit(kernel)(*tuple(_d.values())))

</pallas_src>

<mosaic_0001>
#map = affine_map<(d0, d1) -> (0, 0)>
#map1 = affine_map<(d0, d1) -> (0)>
#map2 = affine_map<(d0, d1) -> (0, 0, 0)>
module attributes {stable_mosaic.version = 14 : i64} {
  func.func @_sc_edge_body(%arg0: i32, %arg1: i32, %arg2: memref<10000x32xf32, #tpu.memory_space<hbm>>, %arg3: memref<10000x16xf32, #tpu.memory_space<hbm>>, %arg4: memref<160000x16xf32, #tpu.memory_space<hbm>>, %arg5: memref<160000xi32, #tpu.memory_space<hbm>>, %arg6: memref<160000xi32, #tpu.memory_space<hbm>>, %arg7: memref<10000x32xf32, #tpu.memory_space<hbm>>, %arg8: memref<160000x16xf32, #tpu.memory_space<hbm>>, %arg9: memref<2x10000x32xf32, #tpu.memory_space<hbm>>, %arg10: memref<1000xi32, #tpu.memory_space<vmem>>, %arg11: memref<1000xi32, #tpu.memory_space<vmem>>, %arg12: memref<1000x32xf32, #tpu.memory_space<vmem>>, %arg13: memref<1000x16xf32, #tpu.memory_space<vmem>>, %arg14: memref<1000x16xf32, #tpu.memory_space<vmem>>, %arg15: memref<1000x32xf32, #tpu.memory_space<vmem>>, %arg16: memref<10000x32xf32, #tpu.memory_space<vmem_shared>>, %arg17: memref<!tpu.dma_semaphore, #tpu.memory_space<semaphore_mem>>, %arg18: memref<!tpu.dma_semaphore, #tpu.memory_space<semaphore_mem>>) attributes {dimension_semantics = [#tpu.dimension_semantics<core_parallel>, #tpu.dimension_semantics<subcore_parallel>], iteration_bounds = array<i64: 2, 16>, scalar_prefetch = 0 : i64, scratch_operands = 9 : i64, tpu.core_type = #tpu.core_type<sc_vector_subcore>, window_params = [{transform_indices = #map}, {transform_indices = #map}, {transform_indices = #map}, {transform_indices = #map1}, {transform_indices = #map1}, {transform_indices = #map}, {transform_indices = #map}, {transform_indices = #map2}]} {
    %mul3A = arith.constant 2 : i32
    %mul3A_0 = arith.muli %arg1, %mul3A : i32
    %add3A = arith.addi %mul3A_0, %arg0 : i32
    %eq3A = arith.constant 0 : i32
    %eq3A_1 = arith.cmpi eq, %arg1, %eq3A : i32
    %convert_element_type3A = arith.extui %eq3A_1 : i1 to i32
    %cond3A = arith.constant 0 : i32
    %cond3A_2 = arith.cmpi ne, %convert_element_type3A, %cond3A : i32
    scf.if %cond3A_2 {
      "tpu.region"() ({
        %run_scoped3A = tpu.sem_alloc : memref<!tpu.dma_semaphore, #tpu.memory_space<semaphore_mem>>
        tpu.enqueue_dma source(%arg7 : memref<10000x32xf32, #tpu.memory_space<hbm>>) target(%arg16 : memref<10000x32xf32, #tpu.memory_space<vmem_shared>>) target_semaphore(%run_scoped3A : memref<!tpu.dma_semaphore, #tpu.memory_space<semaphore_mem>>)
        tpu.wait_dma2 semaphore(%run_scoped3A : memref<!tpu.dma_semaphore, #tpu.memory_space<semaphore_mem>>) src(%arg7 : memref<10000x32xf32, #tpu.memory_space<hbm>>) dst(%arg16 : memref<10000x32xf32, #tpu.memory_space<vmem_shared>>)
        tpu.yield
      }) : () -> ()
    } else {
    }
    %barrier3A = arith.constant 0 : index
    tpu.barrier barrier_id(%barrier3A)
    %scan3A = arith.constant 0 : i32
    %scan3A_3 = arith.constant 5 : i32
    %scan3A_4 = arith.addi %scan3A, %scan3A_3 : i32
    %scan3A_5 = arith.constant 1 : i32
    scf.for %scan3A_19 = %scan3A to %scan3A_4 step %scan3A_5  : i32 {
      %mul3A_20 = arith.constant 5000 : i32
      %mul3A_21 = arith.muli %add3A, %mul3A_20 : i32
      %mul3A_22 = arith.constant 1000 : i32
      %mul3A_23 = arith.muli %scan3A_19, %mul3A_22 : i32
      %add3A_24 = arith.addi %mul3A_21, %mul3A_23 : i32
      "tpu.region"() ({
        %run_scoped3A = tpu.sem_alloc : memref<!tpu.dma_semaphore, #tpu.memory_space<semaphore_mem>>
        %dma_start3A_40 = tpu.memref_slice %arg5[%add3A_24] : memref<160000xi32, #tpu.memory_space<hbm>> -> memref<1000xi32, #tpu.memory_space<hbm>>
        %dma_start3A_41 = tpu.memref_slice %arg5[%add3A_24] : memref<160000xi32, #tpu.memory_space<hbm>> -> memref<1000xi32, #tpu.memory_space<hbm>>
        tpu.enqueue_dma source(%dma_start3A_41 : memref<1000xi32, #tpu.memory_space<hbm>>) target(%arg10 : memref<1000xi32, #tpu.memory_space<vmem>>) target_semaphore(%run_scoped3A : memref<!tpu.dma_semaphore, #tpu.memory_space<semaphore_mem>>)
        %dma_wait3A_42 = tpu.memref_slice %arg5[%add3A_24] : memref<160000xi32, #tpu.memory_space<hbm>> -> memref<1000xi32, #tpu.memory_space<hbm>>
        %dma_wait3A_43 = tpu.memref_slice %arg5[%add3A_24] : memref<160000xi32, #tpu.memory_space<hbm>> -> memref<1000xi32, #tpu.memory_space<hbm>>
        tpu.wait_dma2 semaphore(%run_scoped3A : memref<!tpu.dma_semaphore, #tpu.memory_space<semaphore_mem>>) src(%dma_wait3A_43 : memref<1000xi32, #tpu.memory_space<hbm>>) dst(%arg10 : memref<1000xi32, #tpu.memory_space<vmem>>)
        tpu.yield
      }) : () -> ()
      "tpu.region"() ({
        %run_scoped3A = tpu.sem_alloc : memref<!tpu.dma_semaphore, #tpu.memory_space<semaphore_mem>>
        %dma_start3A_40 = tpu.memref_slice %arg6[%add3A_24] : memref<160000xi32, #tpu.memory_space<hbm>> -> memref<1000xi32, #tpu.memory_space<hbm>>
        %dma_start3A_41 = tpu.memref_slice %arg6[%add3A_24] : memref<160000xi32, #tpu.memory_space<hbm>> -> memref<1000xi32, #tpu.memory_space<hbm>>
        tpu.enqueue_dma source(%dma_start3A_41 : memref<1000xi32, #tpu.memory_space<hbm>>) target(%arg11 : memref<1000xi32, #tpu.memory_space<vmem>>) target_semaphore(%run_scoped3A : memref<!tpu.dma_semaphore, #tpu.memory_space<semaphore_mem>>)
        %dma_wait3A_42 = tpu.memref_slice %arg6[%add3A_24] : memref<160000xi32, #tpu.memory_space<hbm>> -> memref<1000xi32, #tpu.memory_space<hbm>>
        %dma_wait3A_43 = tpu.memref_slice %arg6[%add3A_24] : memref<160000xi32, #tpu.memory_space<hbm>> -> memref<1000xi32, #tpu.memory_space<hbm>>
        tpu.wait_dma2 semaphore(%run_scoped3A : memref<!tpu.dma_semaphore, #tpu.memory_space<semaphore_mem>>) src(%dma_wait3A_43 : memref<1000xi32, #tpu.memory_space<hbm>>) dst(%arg11 : memref<1000xi32, #tpu.memory_space<vmem>>)
        tpu.yield
      }) : () -> ()
      %dma_start3A = arith.constant 0 : i32
      %dma_start3A_25 = arith.constant 0 : i32
      %dma_start3A_26 = tpu.memref_slice %arg2[%dma_start3A, %dma_start3A_25] : memref<10000x32xf32, #tpu.memory_space<hbm>> -> memref<10000x32xf32, #tpu.memory_space<hbm>>
      tpu.enqueue_indirect_dma source(%dma_start3A_26 : memref<10000x32xf32, #tpu.memory_space<hbm>>) target(%arg12 : memref<1000x32xf32, #tpu.memory_space<vmem>>) offsets(%arg10 : memref<1000xi32, #tpu.memory_space<vmem>>) semaphore(%arg17 : memref<!tpu.dma_semaphore, #tpu.memory_space<semaphore_mem>>)
      %dma_start3A_27 = arith.constant 0 : i32
      %dma_start3A_28 = arith.constant 0 : i32
      %dma_start3A_29 = tpu.memref_slice %arg3[%dma_start3A_27, %dma_start3A_28] : memref<10000x16xf32, #tpu.memory_space<hbm>> -> memref<10000x16xf32, #tpu.memory_space<hbm>>
      tpu.enqueue_indirect_dma source(%dma_start3A_29 : memref<10000x16xf32, #tpu.memory_space<hbm>>) target(%arg13 : memref<1000x16xf32, #tpu.memory_space<vmem>>) offsets(%arg11 : memref<1000xi32, #tpu.memory_space<vmem>>) semaphore(%arg18 : memref<!tpu.dma_semaphore, #tpu.memory_space<semaphore_mem>>)
      "tpu.region"() ({
        %run_scoped3A = tpu.sem_alloc : memref<!tpu.dma_semaphore, #tpu.memory_space<semaphore_mem>>
        %dma_start3A_40 = arith.constant 0 : i32
        %dma_start3A_41 = tpu.memref_slice %arg4[%add3A_24, %dma_start3A_40] : memref<160000x16xf32, #tpu.memory_space<hbm>> -> memref<1000x16xf32, #tpu.memory_space<hbm>>
        %dma_start3A_42 = arith.constant 0 : i32
        %dma_start3A_43 = tpu.memref_slice %arg4[%add3A_24, %dma_start3A_42] : memref<160000x16xf32, #tpu.memory_space<hbm>> -> memref<1000x16xf32, #tpu.memory_space<hbm>>
        tpu.enqueue_dma source(%dma_start3A_43 : memref<1000x16xf32, #tpu.memory_space<hbm>>) target(%arg14 : memref<1000x16xf32, #tpu.memory_space<vmem>>) target_semaphore(%run_scoped3A : memref<!tpu.dma_semaphore, #tpu.memory_space<semaphore_mem>>)
        %dma_wait3A_44 = arith.constant 0 : i32
        %dma_wait3A_45 = tpu.memref_slice %arg4[%add3A_24, %dma_wait3A_44] : memref<160000x16xf32, #tpu.memory_space<hbm>> -> memref<1000x16xf32, #tpu.memory_space<hbm>>
        %dma_wait3A_46 = arith.constant 0 : i32
        %dma_wait3A_47 = tpu.memref_slice %arg4[%add3A_24, %dma_wait3A_46] : memref<160000x16xf32, #tpu.memory_space<hbm>> -> memref<1000x16xf32, #tpu.memory_space<hbm>>
        tpu.wait_dma2 semaphore(%run_scoped3A : memref<!tpu.dma_semaphore, #tpu.memory_space<semaphore_mem>>) src(%dma_wait3A_47 : memref<1000x16xf32, #tpu.memory_space<hbm>>) dst(%arg14 : memref<1000x16xf32, #tpu.memory_space<vmem>>)
        tpu.yield
      }) : () -> ()
      %dma_wait3A = arith.constant 0 : i32
      %dma_wait3A_30 = arith.constant 0 : i32
      %dma_wait3A_31 = tpu.memref_slice %arg2[%dma_wait3A, %dma_wait3A_30] : memref<10000x32xf32, #tpu.memory_space<hbm>> -> memref<10000x32xf32, #tpu.memory_space<hbm>>
      tpu.wait_indirect_dma semaphore(%arg17 : memref<!tpu.dma_semaphore, #tpu.memory_space<semaphore_mem>>) src(%dma_wait3A_31 : memref<10000x32xf32, #tpu.memory_space<hbm>>) dst(%arg12 : memref<1000x32xf32, #tpu.memory_space<vmem>>)
      %dma_wait3A_32 = arith.constant 0 : i32
      %dma_wait3A_33 = arith.constant 0 : i32
      %dma_wait3A_34 = tpu.memref_slice %arg3[%dma_wait3A_32, %dma_wait3A_33] : memref<10000x16xf32, #tpu.memory_space<hbm>> -> memref<10000x16xf32, #tpu.memory_space<hbm>>
      tpu.wait_indirect_dma semaphore(%arg18 : memref<!tpu.dma_semaphore, #tpu.memory_space<semaphore_mem>>) src(%dma_wait3A_34 : memref<10000x16xf32, #tpu.memory_space<hbm>>) dst(%arg13 : memref<1000x16xf32, #tpu.memory_space<vmem>>)
      %scan3A_35 = arith.constant 0 : i32
      %scan3A_36 = arith.constant 1000 : i32
      %scan3A_37 = arith.addi %scan3A_35, %scan3A_36 : i32
      %scan3A_38 = arith.constant 1 : i32
      scf.for %scan3A_40 = %scan3A_35 to %scan3A_37 step %scan3A_38  : i32 {
        %get3A = arith.index_cast %scan3A_40 : i32 to index
        %get3A_41 = arith.constant 0 : index
        %get3A_42 = tpu.vector_load %arg12[%get3A, %get3A_41] {strides = array<i32>} : memref<1000x32xf32, #tpu.memory_space<vmem>>, vector<1x16xf32>,
        %get3A_43 = vector.shape_cast %get3A_42 : vector<1x16xf32> to vector<16xf32>
        %get3A_44 = arith.index_cast %scan3A_40 : i32 to index
        %get3A_45 = arith.constant 0 : index
        %get3A_46 = tpu.vector_load %arg13[%get3A_44, %get3A_45] {strides = array<i32>} : memref<1000x16xf32, #tpu.memory_space<vmem>>, vector<1x16xf32>,
        %get3A_47 = vector.shape_cast %get3A_46 : vector<1x16xf32> to vector<16xf32>
        %add3A_48 = arith.addf %get3A_43, %get3A_47 : vector<16xf32>
        %get3A_49 = arith.index_cast %scan3A_40 : i32 to index
        %get3A_50 = arith.constant 0 : index
        %get3A_51 = tpu.vector_load %arg14[%get3A_49, %get3A_50] {strides = array<i32>} : memref<1000x16xf32, #tpu.memory_space<vmem>>, vector<1x16xf32>,
        %get3A_52 = vector.shape_cast %get3A_51 : vector<1x16xf32> to vector<16xf32>
        %add3A_53 = arith.addf %add3A_48, %get3A_52 : vector<16xf32>
        %swap3A = arith.index_cast %scan3A_40 : i32 to index
        %swap3A_54 = arith.constant 0 : index
        %swap3A_55 = tpu.vector_load %arg13[%swap3A, %swap3A_54] {strides = array<i32>} : memref<1000x16xf32, #tpu.memory_space<vmem>>, vector<1x16xf32>,
        %swap3A_56 = vector.shape_cast %swap3A_55 : vector<1x16xf32> to vector<16xf32>
        %swap3A_57 = vector.shape_cast %add3A_53 : vector<16xf32> to vector<1x16xf32>
        tpu.vector_store %arg13[%swap3A, %swap3A_54], %swap3A_57 {strides = array<i32>} : memref<1000x16xf32, #tpu.memory_space<vmem>>, vector<1x16xf32>,
        %neg3A = arith.constant 0.000000e+00 : f32
        %neg3A_58 = vector.broadcast %neg3A : f32 to vector<16xf32>
        %neg3A_59 = arith.subf %neg3A_58, %add3A_53 : vector<16xf32>
        %exp3A = math.exp %neg3A_59 : vector<16xf32>
        %add3A_60 = arith.constant 1.000000e+00 : f32
        %add3A_61 = vector.broadcast %add3A_60 : f32 to vector<16xf32>
        %add3A_62 = arith.addf %add3A_61, %exp3A : vector<16xf32>
        %div3A = arith.constant 1.000000e+00 : f32
        %div3A_63 = vector.broadcast %div3A : f32 to vector<16xf32>
        %div3A_64 = arith.divf %div3A_63, %add3A_62 : vector<16xf32>
        %get3A_65 = arith.index_cast %scan3A_40 : i32 to index
        %get3A_66 = arith.constant 16 : index
        %get3A_67 = tpu.vector_load %arg12[%get3A_65, %get3A_66] {strides = array<i32>} : memref<1000x32xf32, #tpu.memory_space<vmem>>, vector<1x16xf32>,
        %get3A_68 = vector.shape_cast %get3A_67 : vector<1x16xf32> to vector<16xf32>
        %mul3A_69 = arith.mulf %get3A_68, %div3A_64 : vector<16xf32>
        %swap3A_70 = arith.index_cast %scan3A_40 : i32 to index
        %swap3A_71 = arith.constant 0 : index
        %swap3A_72 = tpu.vector_load %arg15[%swap3A_70, %swap3A_71] {strides = array<i32>} : memref<1000x32xf32, #tpu.memory_space<vmem>>, vector<1x16xf32>,
        %swap3A_73 = vector.shape_cast %swap3A_72 : vector<1x16xf32> to vector<16xf32>
        %swap3A_74 = vector.shape_cast %mul3A_69 : vector<16xf32> to vector<1x16xf32>
        tpu.vector_store %arg15[%swap3A_70, %swap3A_71], %swap3A_74 {strides = array<i32>} : memref<1000x32xf32, #tpu.memory_space<vmem>>, vector<1x16xf32>,
        %swap3A_75 = arith.index_cast %scan3A_40 : i32 to index
        %swap3A_76 = arith.constant 16 : index
        %swap3A_77 = tpu.vector_load %arg15[%swap3A_75, %swap3A_76] {strides = array<i32>} : memref<1000x32xf32, #tpu.memory_space<vmem>>, vector<1x16xf32>,
        %swap3A_78 = vector.shape_cast %swap3A_77 : vector<1x16xf32> to vector<16xf32>
        %swap3A_79 = vector.shape_cast %div3A_64 : vector<16xf32> to vector<1x16xf32>
        tpu.vector_store %arg15[%swap3A_75, %swap3A_76], %swap3A_79 {strides = array<i32>} : memref<1000x32xf32, #tpu.memory_space<vmem>>, vector<1x16xf32>,
      }
      %scan3A_39 = arith.constant 1000 : i32
      "tpu.region"() ({
        %run_scoped3A = tpu.sem_alloc : memref<!tpu.dma_semaphore, #tpu.memory_space<semaphore_mem>>
        %dma_start3A_40 = arith.constant 0 : i32
        %dma_start3A_41 = tpu.memref_slice %arg8[%add3A_24, %dma_start3A_40] : memref<160000x16xf32, #tpu.memory_space<hbm>> -> memref<1000x16xf32, #tpu.memory_space<hbm>>
        %dma_start3A_42 = arith.constant 0 : i32
        %dma_start3A_43 = tpu.memref_slice %arg8[%add3A_24, %dma_start3A_42] : memref<160000x16xf32, #tpu.memory_space<hbm>> -> memref<1000x16xf32, #tpu.memory_space<hbm>>
        tpu.enqueue_dma source(%arg13 : memref<1000x16xf32, #tpu.memory_space<vmem>>) target(%dma_start3A_43 : memref<1000x16xf32, #tpu.memory_space<hbm>>) target_semaphore(%run_scoped3A : memref<!tpu.dma_semaphore, #tpu.memory_space<semaphore_mem>>)
        %dma_wait3A_44 = arith.constant 0 : i32
        %dma_wait3A_45 = tpu.memref_slice %arg8[%add3A_24, %dma_wait3A_44] : memref<160000x16xf32, #tpu.memory_space<hbm>> -> memref<1000x16xf32, #tpu.memory_space<hbm>>
        %dma_wait3A_46 = arith.constant 0 : i32
        %dma_wait3A_47 = tpu.memref_slice %arg8[%add3A_24, %dma_wait3A_46] : memref<160000x16xf32, #tpu.memory_space<hbm>> -> memref<1000x16xf32, #tpu.memory_space<hbm>>
        tpu.wait_dma2 semaphore(%run_scoped3A : memref<!tpu.dma_semaphore, #tpu.memory_space<semaphore_mem>>) src(%arg13 : memref<1000x16xf32, #tpu.memory_space<vmem>>) dst(%dma_wait3A_47 : memref<1000x16xf32, #tpu.memory_space<hbm>>)
        tpu.yield
      }) : () -> ()
      "tpu.region"() ({
        %run_scoped3A = tpu.sem_alloc : memref<!tpu.dma_semaphore, #tpu.memory_space<semaphore_mem>>
        %dma_start3A_40 = arith.constant 0 : i32
        %dma_start3A_41 = arith.constant 0 : i32
        %dma_start3A_42 = tpu.memref_slice %arg16[%dma_start3A_40, %dma_start3A_41] : memref<10000x32xf32, #tpu.memory_space<vmem_shared>> -> memref<10000x32xf32, #tpu.memory_space<vmem_shared>>
        tpu.enqueue_indirect_dma source(%arg15 : memref<1000x32xf32, #tpu.memory_space<vmem>>) target(%dma_start3A_42 : memref<10000x32xf32, #tpu.memory_space<vmem_shared>>) offsets(%arg11 : memref<1000xi32, #tpu.memory_space<vmem>>) semaphore(%run_scoped3A : memref<!tpu.dma_semaphore, #tpu.memory_space<semaphore_mem>>) {add = true}
        %dma_wait3A_43 = arith.constant 0 : i32
        %dma_wait3A_44 = arith.constant 0 : i32
        %dma_wait3A_45 = tpu.memref_slice %arg16[%dma_wait3A_43, %dma_wait3A_44] : memref<10000x32xf32, #tpu.memory_space<vmem_shared>> -> memref<10000x32xf32, #tpu.memory_space<vmem_shared>>
        tpu.wait_indirect_dma semaphore(%run_scoped3A : memref<!tpu.dma_semaphore, #tpu.memory_space<semaphore_mem>>) src(%arg15 : memref<1000x32xf32, #tpu.memory_space<vmem>>) dst(%dma_wait3A_45 : memref<10000x32xf32, #tpu.memory_space<vmem_shared>>)
        tpu.yield
      }) : () -> ()
    }
    %scan3A_6 = arith.constant 5 : i32
    %barrier3A_7 = arith.constant 0 : index
    tpu.barrier barrier_id(%barrier3A_7)
    %mul3A_8 = arith.constant 624 : i32
    %mul3A_9 = arith.muli %arg1, %mul3A_8 : i32
    %lt3A = arith.constant 15 : i32
    %lt3A_10 = arith.cmpi slt, %arg1, %lt3A : i32
    %convert_element_type3A_11 = arith.extui %lt3A_10 : i1 to i32
    %cond3A_12 = arith.constant 0 : i32
    %cond3A_13 = arith.cmpi ne, %convert_element_type3A_11, %cond3A_12 : i32
    scf.if %cond3A_13 {
      "tpu.region"() ({
        %run_scoped3A = tpu.sem_alloc : memref<!tpu.dma_semaphore, #tpu.memory_space<semaphore_mem>>
        %dma_start3A = arith.constant 0 : i32
        %dma_start3A_19 = arith.constant 0 : i32
        %dma_start3A_20 = tpu.memref_slice %arg9[%arg0, %dma_start3A, %dma_start3A_19] : memref<2x10000x32xf32, #tpu.memory_space<hbm>> -> memref<1x10000x32xf32, #tpu.memory_space<hbm>>
        %dma_start3A_21 = tpu.memref_squeeze %dma_start3A_20 : memref<1x10000x32xf32, #tpu.memory_space<hbm>> -> memref<10000x32xf32, #tpu.memory_space<hbm>>
        %dma_start3A_22 = arith.constant 0 : i32
        %dma_start3A_23 = tpu.memref_slice %dma_start3A_21[%mul3A_9, %dma_start3A_22] : memref<10000x32xf32, #tpu.memory_space<hbm>> -> memref<624x32xf32, #tpu.memory_space<hbm>>
        %dma_start3A_24 = arith.constant 0 : i32
        %dma_start3A_25 = tpu.memref_slice %arg16[%mul3A_9, %dma_start3A_24] : memref<10000x32xf32, #tpu.memory_space<vmem_shared>> -> memref<624x32xf32, #tpu.memory_space<vmem_shared>>
        tpu.enqueue_dma source(%dma_start3A_25 : memref<624x32xf32, #tpu.memory_space<vmem_shared>>) target(%dma_start3A_23 : memref<624x32xf32, #tpu.memory_space<hbm>>) target_semaphore(%run_scoped3A : memref<!tpu.dma_semaphore, #tpu.memory_space<semaphore_mem>>)
        %dma_wait3A = arith.constant 0 : i32
        %dma_wait3A_26 = arith.constant 0 : i32
        %dma_wait3A_27 = tpu.memref_slice %arg9[%arg0, %dma_wait3A, %dma_wait3A_26] : memref<2x10000x32xf32, #tpu.memory_space<hbm>> -> memref<1x10000x32xf32, #tpu.memory_space<hbm>>
        %dma_wait3A_28 = tpu.memref_squeeze %dma_wait3A_27 : memref<1x10000x32xf32, #tpu.memory_space<hbm>> -> memref<10000x32xf32, #tpu.memory_space<hbm>>
        %dma_wait3A_29 = arith.constant 0 : i32
        %dma_wait3A_30 = tpu.memref_slice %dma_wait3A_28[%mul3A_9, %dma_wait3A_29] : memref<10000x32xf32, #tpu.memory_space<hbm>> -> memref<624x32xf32, #tpu.memory_space<hbm>>
        %dma_wait3A_31 = arith.constant 0 : i32
        %dma_wait3A_32 = tpu.memref_slice %arg16[%mul3A_9, %dma_wait3A_31] : memref<10000x32xf32, #tpu.memory_space<vmem_shared>> -> memref<624x32xf32, #tpu.memory_space<vmem_shared>>
        tpu.wait_dma2 semaphore(%run_scoped3A : memref<!tpu.dma_semaphore, #tpu.memory_space<semaphore_mem>>) src(%dma_wait3A_32 : memref<624x32xf32, #tpu.memory_space<vmem_shared>>) dst(%dma_wait3A_30 : memref<624x32xf32, #tpu.memory_space<hbm>>)
        tpu.yield
      }) : () -> ()
    } else {
    }
    %eq3A_14 = arith.constant 15 : i32
    %eq3A_15 = arith.cmpi eq, %arg1, %eq3A_14 : i32
    %convert_element_type3A_16 = arith.extui %eq3A_15 : i1 to i32
    %cond3A_17 = arith.constant 0 : i32
    %cond3A_18 = arith.cmpi ne, %convert_element_type3A_16, %cond3A_17 : i32
    scf.if %cond3A_18 {
      "tpu.region"() ({
        %run_scoped3A = tpu.sem_alloc : memref<!tpu.dma_semaphore, #tpu.memory_space<semaphore_mem>>
        %dma_start3A = arith.constant 0 : i32
        %dma_start3A_19 = arith.constant 0 : i32
        %dma_start3A_20 = tpu.memref_slice %arg9[%arg0, %dma_start3A, %dma_start3A_19] : memref<2x10000x32xf32, #tpu.memory_space<hbm>> -> memref<1x10000x32xf32, #tpu.memory_space<hbm>>
        %dma_start3A_21 = tpu.memref_squeeze %dma_start3A_20 : memref<1x10000x32xf32, #tpu.memory_space<hbm>> -> memref<10000x32xf32, #tpu.memory_space<hbm>>
        %dma_start3A_22 = arith.constant 9360 : i32
        %dma_start3A_23 = arith.constant 0 : i32
        %dma_start3A_24 = tpu.memref_slice %dma_start3A_21[%dma_start3A_22, %dma_start3A_23] : memref<10000x32xf32, #tpu.memory_space<hbm>> -> memref<640x32xf32, #tpu.memory_space<hbm>>
        %dma_start3A_25 = arith.constant 9360 : i32
        %dma_start3A_26 = arith.constant 0 : i32
        %dma_start3A_27 = tpu.memref_slice %arg16[%dma_start3A_25, %dma_start3A_26] : memref<10000x32xf32, #tpu.memory_space<vmem_shared>> -> memref<640x32xf32, #tpu.memory_space<vmem_shared>>
        tpu.enqueue_dma source(%dma_start3A_27 : memref<640x32xf32, #tpu.memory_space<vmem_shared>>) target(%dma_start3A_24 : memref<640x32xf32, #tpu.memory_space<hbm>>) target_semaphore(%run_scoped3A : memref<!tpu.dma_semaphore, #tpu.memory_space<semaphore_mem>>)
        %dma_wait3A = arith.constant 0 : i32
        %dma_wait3A_28 = arith.constant 0 : i32
        %dma_wait3A_29 = tpu.memref_slice %arg9[%arg0, %dma_wait3A, %dma_wait3A_28] : memref<2x10000x32xf32, #tpu.memory_space<hbm>> -> memref<1x10000x32xf32, #tpu.memory_space<hbm>>
        %dma_wait3A_30 = tpu.memref_squeeze %dma_wait3A_29 : memref<1x10000x32xf32, #tpu.memory_space<hbm>> -> memref<10000x32xf32, #tpu.memory_space<hbm>>
        %dma_wait3A_31 = arith.constant 9360 : i32
        %dma_wait3A_32 = arith.constant 0 : i32
        %dma_wait3A_33 = tpu.memref_slice %dma_wait3A_30[%dma_wait3A_31, %dma_wait3A_32] : memref<10000x32xf32, #tpu.memory_space<hbm>> -> memref<640x32xf32, #tpu.memory_space<hbm>>
        %dma_wait3A_34 = arith.constant 9360 : i32
        %dma_wait3A_35 = arith.constant 0 : i32
        %dma_wait3A_36 = tpu.memref_slice %arg16[%dma_wait3A_34, %dma_wait3A_35] : memref<10000x32xf32, #tpu.memory_space<vmem_shared>> -> memref<640x32xf32, #tpu.memory_space<vmem_shared>>
        tpu.wait_dma2 semaphore(%run_scoped3A : memref<!tpu.dma_semaphore, #tpu.memory_space<semaphore_mem>>) src(%dma_wait3A_36 : memref<640x32xf32, #tpu.memory_space<vmem_shared>>) dst(%dma_wait3A_33 : memref<640x32xf32, #tpu.memory_space<hbm>>)
        tpu.yield
      }) : () -> ()
    } else {
    }
    return
  }
}

</mosaic_0001>

<sc_bundles>
// kernel: _sc_edge_call.3.cloned.1.call-start
scs
__scs_entry_jumppad:
0x0: {  	(pc) =	sbr.rel $0x88, $3  }
0x1: {  	(tag) =	ssettag $0x0;
	lr =	simm.s32 $0x1  }
0x2: {  	[smem:$0x3F9B] =	sst lr;
	_ =	strace $0xD0000000  }
0x3: {  	_ = 	snop  }
0x4: {  	_ = 	snop  }
0x5: {  	_ = 	snop  }
0x6: {  	_ = 	snop  }
0x7: {  	_ = 	snop  }
__scs_overlays_trampoline_lowered:
0x8: {  	[smem:$0x3FAA] =	sst s0  }
0x9: {  	[smem:$0x3FAB] =	sst s1  }
0xa: {  	[smem:$0x3FAC] =	sst s2  }
0xb: {  	[smem:$0x3FAD] =	sst s3  }
0xc: {  	[smem:$0x3FAE] =	sst s4  }
0xd: {  	[smem:$0x3FAF] =	sst s5  }
0xe: {  	[smem:$0x3FB0] =	sst s6  }
0xf: {  	[smem:$0x3FB1] =	sst s7  }
0x10: {  	[smem:$0x3FB2] =	sst s8  }
0x11: {  	[smem:$0x3FB3] =	sst s9;
	s0 =	simm.s32 @!p0 $0x0  }
0x12: {  	s1 =	sld [smem:$0x3F99];
	s0 =	simm.s32 @p0 $0x1  }
0x13: {  	[smem:$0x3FB4] =	sst s0;
	s0 =	simm.s32 @!p1 $0x0  }
0x14: {  	s2 =	sld [smem:$0x3F98];
	s0 =	simm.s32 @p1 $0x1  }
0x15: {  	[smem:$0x3FB5] =	sst s0;
	s0 =	simm.s32 @!p2 $0x0  }
0x16: {  	s3 =	sld [smem:$0x3FDB];
	s0 =	simm.s32 @p2 $0x1  }
0x17: {  	s4 =	simm.s32 $0x1BF5;
	[smem:$0x3FB7] =	sst s0  }
0x18: {  	s0 =	sld [smem:$0x3F9A];
	_ =	swait.ge [sflag:s4], $0x0  }
0x19: {  	s7 =	sld [smem:$0x3F9B]  }
0x1a: {  	s8 =	sadd.s32 $0xFFFFE003, lr  }
0x1b: {  	s9 =	sadd.s32 $0xFFFFFEF7, lr;
	s5 =	simm.s32 $0xFFFFFFFF;
	p2 =	slt.u32 s8, $0xFFFFF086  }
0x1c: {  	p1 =	slt.u32 s9, $0xF7A;
	s5 =	simm.s32 @!p2 $0x0  }
0x1d: {  	s5 =	simm.s32 @p1 $0x1;
	p0 =	seq.s32 s7, s2  }
0x1e: {  	s7 =	smul.u32 @!p0 $0xF7A, s2;
	p2 =	seq.s32 @!p0 s5, $0x0  }
0x1f: {  	s9 =	smul.u32 $0xF7A, s1;
	s8 =	simm.s32 @!p0 $0x1BF5;
	p2 =	por !p2, p0  }
0x20: {  	[sflag:s8] =	ssyncset.s32 @!p0 $0xFFFFF086;
	s6 =	sadd.s32 @!p0 s3, s7;
	s7 =	simm.s32 @!p0 $0x108  }
0x21: {  	s3 =	sadd.s32 s3, s9;
	s6 =	sadd.s32 @!p0 $0x88, s6;
	s7 =	simm.s32 @p2 $0x1082  }
0x22: {  	[simem:s7], [sflag:s8] =	dma.local @!p0 [hbm:s6], $0xF7A  }
0x23: {  	s9 =	sor.u32 $0xD0000000, s2;
	s6 =	simm.s32 $0x108;
	_ =	swait.ge @!p0 [sflag:s8], $0x0  }
0x24: {  	s3 =	sadd.s32 $0x88, s3;
	s6 =	simm.s32 @!p1 $0x1082;
	[sflag:s4] =	ssyncset.s32 $0xFFFFF086  }
0x25: {  	[simem:s6], [sflag:s4] =	dma.local [hbm:s3], $0xF7A  }
0x26: {  	[smem:$0x3F9B] =	sst s1;
	(tag) =	ssettag s2;
	_ =	strace s9  }
0x27: {  	s1 =	sld [smem:$0x3FAB]  }
0x28: {  	s2 =	sld [smem:$0x3FAC]  }
0x29: {  	s4 =	sld [smem:$0x3FAE]  }
0x2a: {  	p0 =	seq.s32 s5, $0x0;
	s5 =	sld [smem:$0x3FAF]  }
0x2b: {  	s6 =	sld [smem:$0x3FB0]  }
0x2c: {  	s7 =	sld [smem:$0x3FB1]  }
0x2d: {  	s3 =	simm.s32 $0x108;
	s8 =	sld [smem:$0x3FB2]  }
0x2e: {  	s3 =	simm.s32 @!p0 $0x1082;
	s9 =	sld [smem:$0x3FB3]  }
0x2f: {  	lr =	sadd.s32 s0, s3;
	s0 =	sld [smem:$0x3FAA]  }
0x30: {  	s3 =	sld [smem:$0x3FAD]  }
0x31: {  	[smem:$0x3FB6] =	sst s10  }
0x32: {  	s10 =	sld [smem:$0x3FB4];
	_ =	sdelay $0x3  }
0x33: {  	p0 =	seq.s32 s10, $0x1;
	s10 =	sld [smem:$0x3FB6];
	_ =	sdelay $0x3  }
0x34: {  	[smem:$0x3FB6] =	sst s10  }
0x35: {  	s10 =	sld [smem:$0x3FB5];
	_ =	sdelay $0x3  }
0x36: {  	p1 =	seq.s32 s10, $0x1;
	s10 =	sld [smem:$0x3FB6];
	_ =	sdelay $0x3  }
0x37: {  	[smem:$0x3FB6] =	sst s10  }
0x38: {  	s10 =	sld [smem:$0x3FB7]  }
0x39: {  	_ = 	snop;
	(pc) =	sbr.ind lr, $3  }
0x3a: {  	_ = 	snop  }
0x3b: {  	_ = 	snop  }
0x3c: {  	p2 =	seq.s32 s10, $0x1;
	s10 =	sld [smem:$0x3FB6]  }
0x3d: {  	_ =	shalt  }
0x3e: {  	_ =	shalt  }
0x3f: {  	_ =	shalt  }
0x40: {  	_ =	shalt  }
0x41: {  	_ =	shalt  }
0x42: {  	_ =	shalt  }
0x43: {  	_ =	shalt  }
0x44: {  	_ =	shalt  }
0x45: {  	_ =	shalt  }
0x46: {  	_ =	shalt  }
0x47: {  	_ =	shalt  }
0x48: {  	_ =	shalt  }
0x49: {  	_ =	shalt  }
0x4a: {  	_ =	shalt  }
0x4b: {  	_ =	shalt  }
0x4c: {  	_ =	shalt  }
0x4d: {  	_ =	shalt  }
0x4e: {  	_ =	shalt  }
0x4f: {  	_ =	shalt  }
0x50: {  	_ =	shalt  }
0x51: {  	_ =	shalt  }
0x52: {  	_ =	shalt  }
0x53: {  	_ =	shalt  }
0x54: {  	_ =	shalt  }
0x55: {  	_ =	shalt  }
0x56: {  	_ =	shalt  }
0x57: {  	_ =	shalt  }
0x58: {  	_ =	shalt  }
0x59: {  	_ =	shalt  }
0x5a: {  	_ =	shalt  }
0x5b: {  	_ =	shalt  }
0x5c: {  	_ =	shalt  }
0x5d: {  	_ =	shalt  }
0x5e: {  	_ =	shalt  }
0x5f: {  	_ =	shalt  }
0x60: {  	_ =	shalt  }
0x61: {  	_ =	shalt  }
0x62: {  	_ =	shalt  }
0x63: {  	_ =	shalt  }
0x64: {  	_ =	shalt  }
0x65: {  	_ =	shalt  }
0x66: {  	_ =	shalt  }
0x67: {  	_ =	shalt  }
0x68: {  	_ =	shalt  }
0x69: {  	_ =	shalt  }
0x6a: {  	_ =	shalt  }
0x6b: {  	_ =	shalt  }
0x6c: {  	_ =	shalt  }
0x6d: {  	_ =	shalt  }
0x6e: {  	_ =	shalt  }
0x6f: {  	_ =	shalt  }
0x70: {  	_ =	shalt  }
0x71: {  	_ =	shalt  }
0x72: {  	_ =	shalt  }
0x73: {  	_ =	shalt  }
0x74: {  	_ =	shalt  }
0x75: {  	_ =	shalt  }
0x76: {  	_ =	shalt  }
0x77: {  	_ =	shalt  }
0x78: {  	_ =	shalt  }
0x79: {  	_ =	shalt  }
0x7a: {  	_ =	shalt  }
0x7b: {  	_ =	shalt  }
0x7c: {  	_ =	shalt  }
0x7d: {  	_ =	shalt  }
0x7e: {  	_ =	shalt  }
0x7f: {  	_ =	shalt  }
0x80: {  	_ =	shalt  }
0x81: {  	_ =	shalt  }
0x82: {  	_ =	shalt  }
0x83: {  	_ =	shalt  }
0x84: {  	_ =	shalt  }
0x85: {  	_ =	shalt  }
0x86: {  	_ =	shalt  }
0x87: {  	_ =	shalt  }
.Lfunc_end0:
.L_simem_size_0:
called_computation_lowered:
.L_overlay_start_0:
0x88: {  	s2 =	sld [smem:$0x3FD9]  }
0x89: {  	s3 =	sld [smem:$0x3FFE];
	_ =	sdelay $0x1  }
0x8a: {  	s1 =	srdreg.scid  }
0x8b: {  	s0 =	sand.u32 $0x1, s1  }
0x8c: {  	s14 =	sshll.u32 s0, $0xA;
	s2 =	sadd.s32 s3, s2  }
0x8d: {  	s2 =	sadd.s32 s2, s14  }
0x8e: {  	[smem:$0x3FC2] =	sst s2  }
0x8f: {  	_ = 	snop  }
0x90: {  	s2 =	sld [smem:$0x3FD0];
	_ =	sdelay $0x1  }
0x91: {  	s15 =	sld [smem:$0x3FC6]  }
0x92: {  	s5 =	simm.s32 $0xA;
	s6 =	simm.s32 $0x10;
	s4 =	sld [smem:$0x3FC5]  }
0x93: {  	[smem:s6], [sflag:s5] =	dma.local [hbm:s2], $0x1  }
0x94: {  	_ =	swait.eq [sflag:s5], $0x1  }
0x95: {  	[sflag:s5] =	ssyncset.done $0x0  }
0x96: {  	s16 =	sld [smem:$0x10];
	[sflag:s5] =	ssyncadd.s32 $0xFFFFFFFF  }
0x97: {  	s17 =	sld [smem:$0x11];
	(tm) =	ssettm $0x1  }
0x98: {  	s18 =	sld [smem:$0x3FFB];
	_ =	sdelay $0x3  }
0x99: {  	_ =	strace s18  }
0x9a: {  	s6 =	sld [smem:$0x3FFC];
	_ =	sdelay $0x3  }
0x9b: {  	_ =	strace s6  }
0x9c: {  	s6 =	sld [smem:$0x3FFD];
	_ =	sdelay $0x3  }
0x9d: {  	_ =	strace s6  }
0x9e: {  	_ =	strace $0x8FFFFFFF  }
0x9f: {  	s19 =	sld [smem:$0x3FDB];
	_ =	sdelay $0x1  }
0xa0: {  	s7 =	simm.s32 $_scs_section_size  }
0xa1: {  	s8 =	simm.s32 $_size__tile_overlayer_lowered;
	s9 =	simm.s32 $_tile_overlayer_lowered  }
0xa2: {  	s22 =	simm.s32 $0x1BFF;
	s21 =	sshll.u32 s9, $0x1;
	s6 =	sadd.s32 s7, s19  }
0xa3: {  	s10 =	simm.s32 $0x0;
	s20 =	sshll.u32 s8, $0x1;
	s8 =	sadd.s32 s21, s6  }
0xa4: {  	[timem:s10], [sflag:s22] =	dma.local [hbm:s8], s20  }
0xa5: {  	_ =	swait.ge [sflag:s22], s20  }
0xa6: {  	s7 =	ssub.s32 $0x0, s20;
	[sflag:s22] =	ssyncset.done $0x0  }
0xa7: {  	[sflag:s22] =	ssyncadd.s32 s7;
	_ =	sdelay $0x1  }
0xa8: {  	s23 =	simm.s32 $0x1B8B  }
0xa9: {  	_ =	swait.ge [sflag:s23], $0x1  }
0xaa: {  	[sflag:s23] =	ssyncset.done $0x0  }
0xab: {  	s25 =	simm.s32 $0x1B8E;
	s24 =	sld [smem:$0x3FFE];
	[sflag:s23] =	ssyncadd.s32 $0xFFFFFFFF  }
0xac: {  	s26 =	simm.s32 $execute0_lowered;
	[smem:$0x3FD2] =	sst s25  }
0xad: {  	s8 =	sshll.u32 s26, $0x1;
	_ =	strace $0x80000046;
	[dreg:$0x1] =	wrdreg $0xFFFFFFFF  }
0xae: {  	s28 =	simm.s32 $_size_execute0_lowered;
	s6 =	sadd.s32 s6, s8;
	[dreg:$0x0] =	wrdreg $0x0  }
0xaf: {  	s8 =	sshll.u32 s28, $0x1;
	[dreg:$0x2] =	wrdreg s6  }
0xb0: {  	[dreg:$0x3] =	wrdreg s8  }
0xb1: {  	[dreg:$0x4] =	wrdreg $0xC0  }
0xb2: {  	_ =	task [dreg:s10], $0x5FFFF  }
0xb3: {  	[dreg:$0x1] =	wrdreg $0xFFFFFFFF  }
0xb4: {  	[dreg:$0x0] =	wrdreg $0x60  }
0xb5: {  	[dreg:$0x2] =	wrdreg s24  }
0xb6: {  	[dreg:$0x3] =	wrdreg s16  }
0xb7: {  	[dreg:$0x4] =	wrdreg s15  }
0xb8: {  	[dreg:$0x5] =	wrdreg s4  }
0xb9: {  	[dreg:$0x6] =	wrdreg s17  }
0xba: {  	[dreg:$0x7] =	wrdreg $0x17ED00  }
0xbb: {  	[dreg:$0x8] =	wrdreg $0x9  }
0xbc: {  	_ =	task.clear_ibuf [dreg:s10], $0x9FFFF;
	_ =	strace $0x90000046  }
0xbd: {  	s29 =	simm.s32 $0x9;
	_ =	strace $0x80000048  }
0xbe: {  	_ =	swait.ge [sflag:s29], $0x1  }
0xbf: {  	[sflag:s29] =	ssyncadd.s32 $0xFFFFFFFF  }
0xc0: {  	_ =	strace $0x90000048  }
0xc1: {  	_ =	sfence  }
0xc2: {  	s30 =	sld [smem:$0x0];
	_ =	sdelay $0x2  }
0xc3: {  	s31 =	sshll.u32 s1, $0xD;
	s1 =	sshrl.u32 s1, $0x2  }
0xc4: {  	s3 =	sand.u32 $0x4000, s31;
	s1 =	sadd.s32 s1, s30  }
0xc5: {  	s0 =	sor.u32 s3, s0;
	s1 =	sshll.u32 s1, $0x11  }
0xc6: {  	s0 =	sor.u32 s1, s0  }
0xc7: {  	s0 =	sadd.s32 $0x8F2B, s0  }
0xc8: {  	[sflag:s0] =	ssyncadd.remote.s32 $0x1  }
0xc9: {  	_ =	sfence.sel $0xFFFF  }
0xca: {  	[dreg:$0x0] =	wrdreg $0xFFFFFFFF;
	(pc) =	sbr.abs _section_cstart, $3  }
0xcb: {  	[dreg:$0x1] =	wrdreg $0xFFFFFFFF  }
0xcc: {  	_ =	task.clear_ibuf [dreg:s10], $0x2FFFF;
	_ =	strace $0x9FFFFFFF  }
0xcd: {  	(tm) =	ssettm $0x7FFFFFFF  }
tec
execute0_lowered:
.L_overlay_start_1:
0x0: {  	(tag) =	ssettag $0x1  }
0x1: {  	s0 =	rddreg [dreg:$0x0]  }
0x2: {  	s1 =	rddreg [dreg:$0x1]  }
0x3: {  	s2 =	rddreg [dreg:$0x2]  }
0x4: {  	s3 =	rddreg [dreg:$0x3]  }
0x5: {  	s12 =	rddreg [dreg:$0x4]  }
0x6: {  	s4 =	rddreg [dreg:$0x5];
	s5 =	simm.s32 $0x0;
	s9 =	srdreg.scid  }
0x7: {  	s30 =	stileid.u32;
	s18 =	simm.s32 $0x84D0;
	s19 =	simm.s32 $0xC350  }
0x8: {  	s20 =	simm.s32 $0x1;
	s21 =	simm.s32 $0x2;
	s22 =	simm.s32 $0x101D0  }
0x9: {  	s26 =	simm.s32 $0x0;
	[smem:$0x7FF] =	sst s5;
	s6 =	sadd.s32 $0xAE00, s0  }
0xa: {  	s7 =	sadd.s32 $0x14C00, s0;
	s8 =	sadd.s32 $0x1000, s0;
	s11 =	sand.u32 $0x1, s9  }
0xb: {  	s16 =	sshll.u32 s30, $0x1;
	s17 =	smul.u32 $0x4E00, s30;
	s10 =	sadd.s32 $0x19C00, s0  }
0xc: {  	s23 =	sadd.s32 $0x49200, s4;
	p0 =	sne.s32 s30, $0x0;
	p1 =	seq.s32 s30, $0xF  }
0xd: {  	_ =	strace $0x80000047;
	s13 =	ssub.s32 $0x2, s11;
	s14 =	smul.u32 $0x9C40, s11  }
0xe: {  	s11 =	sor.u32 s11, s16;
	s16 =	simm.s32 $0x3E8;
	s23 =	sshrl.u32 @p1 s23, $0x3  }
0xf: {  	s15 =	sshrl.u32 s13, $0x1;
	s11 =	smul.u32 $0x1388, s11;
	s24 =	sshrl.u32 s17, $0x3  }
0x10: {  	s25 =	sadd.s32 s17, s4;
	s17 =	simm.s32 $0x7D0;
	s31 =	ssub.s32 s13, s15  }
0x11: {  	s12 =	sadd.s32 s12, s14;
	s14 =	sshrl.u32 @!p0 s4, $0x3;
	s15 =	simm.s32 $0x3  }
0x12: {  	s25 =	sshrl.u32 @!p1 s25, $0x3;
	s13 =	smax.u32 s31, $0x1;
	s24 =	sadd.s32 @!p1 s24, s12  }
.LBB2_1:
0x13: {  	s0 =	simm.s32 @!p0 $0x1C03  }
0x14: {  	[spmem:s14], [sflag:s0] =	dma.local @!p0 [hbm:s8], $0x9C40  }
0x15: {  	s0 =	simm.s32 @!p0 $0x3  }
0x16: {  	_ =	swait.ge @!p0 [sflag:s0], $0x9C40  }
0x17: {  	[sflag:s0] =	ssyncset.done @!p0 $0x0  }
0x18: {  	[sflag:s0] =	ssyncadd.s32 @!p0 $0xFFFF63C0  }
0x19: {  	s28 =	simm.s32 $0x0;
	[bflag:$0x0] =	sbarrier.arrive $0xFFFF  }
.LBB2_2:
0x1a: {  	s0 =	smul.u32 $0x3E8, s28;
	_ =	sdelay $0x1  }
0x1b: {  	s0 =	sadd.s32 s11, s0  }
0x1c: {  	s29 =	sshrl.u32 s0, $0x3  }
0x1d: {  	s31 =	simm.s32 $0x0;
	s30 =	sadd.s32 s2, s29  }
0x1e: {  	[tilespmem:s31], [sflag:$0x3] =	stream.linear.gather [hbm4b:s30+s31], $0x3E8, $0x38;
	[tilespmem:$0x1CCF0] =	vst v63  }
0x1f: {  	_ =	swait.ge [sflag:s15], $0x3E8  }
0x20: {  	[sflag:s15] =	ssyncset.done $0x0  }
0x21: {  	s29 =	sadd.s32 s3, s29;
	[sflag:s15] =	ssyncadd.s32 $0xFFFFFC18  }
0x22: {  	[tilespmem:s16], [sflag:$0x3] =	stream.linear.gather [hbm4b:s29+s31], $0x3E8, $0x38;
	[tilespmem:$0x1CCF0] =	vst v63  }
0x23: {  	_ =	swait.ge [sflag:s15], $0x3E8  }
0x24: {  	[sflag:s15] =	ssyncset.done $0x0  }
0x25: {  	[sflag:s15] =	ssyncadd.s32 $0xFFFFFC18  }
0x26: {  	[tilespmem:s17], [sflag:$0x1] =	stream.indirect.gather [hbm4b:s6+s16], $0x20, s31, s16, $0xb8;
	[tilespmem:$0x1CCF0] =	vst v63  }
0x27: {  	s29 =	sshll.u32 s0, $0x1  }
0x28: {  	[tilespmem:s18], [sflag:$0x2] =	stream.indirect.gather [hbm4b:s7+s16], $0x10, s16, s16, $0xb8;
	[tilespmem:$0x1CCF0] =	vst v63  }
0x29: {  	s0 =	sadd.s32 s1, s29  }
0x2a: {  	[tilespmem:s19], [sflag:$0x3] =	stream.linear.gather [hbm4b:s0+s31], $0x3E80, $0x38;
	[tilespmem:$0x1CCF0] =	vst v63  }
0x2b: {  	_ =	swait.ge [sflag:s15], $0x3E80  }
0x2c: {  	[sflag:s15] =	ssyncset.done $0x0  }
0x2d: {  	[sflag:s15] =	ssyncadd.s32 $0xFFFFC180  }
0x2e: {  	_ =	swait.ge [sflag:s20], $0x7D00  }
0x2f: {  	[sflag:s20] =	ssyncset.done $0x0  }
0x30: {  	[sflag:s20] =	ssyncadd.s32 $0xFFFF8300  }
0x31: {  	_ =	swait.ge [sflag:s21], $0x3E80  }
0x32: {  	[sflag:s21] =	ssyncset.done $0x0  }
0x33: {  	s30 =	simm.s32 $0x7E0;
	[sflag:s21] =	ssyncadd.s32 $0xFFFFC180  }
0x34: {  	s9 =	simm.s32 $0x0;
	v0 =	vld [tilespmem:s30+$0xFFFFFFF0]  }
0x35: {  	v1 =	vld [tilespmem:s9+$0x84D0];
	_ =	sdelay $0x1  }
0x36: {  	v2 =	vld [tilespmem:s9+$0xC350];
	_ =	sdelay $0x2  }
0x37: {  	v0 =	vadd.f32 v1, v0;
	_ =	sdelay $0x1  }
0x38: {  	v0 =	vadd.f32 v2, v0;
	_ =	sdelay $0x1  }
0x39: {  	v1 =	vsub.f32 $0.0e+00, v0;
	_ =	sdelay $0x1  }
0x3a: {  	v1 =	vmul.f32 $1.442695020e+00, v1;
	_ =	sdelay $0x1  }
0x3b: {  	(erf) = vpow2.f32 v1;
	_ =	sdelay $0x8  }
0x3c: {  	v1 =	vpop (erf)  }
0x3d: {  	v1 =	vadd.f32 $1.000000000e+00, v1;
	_ =	sdelay $0x1  }
0x3e: {  	(erf) = vrcp.f32 v1;
	_ =	sdelay $0x3  }
0x3f: {  	[tilespmem:s9+$0x84D0] =	vst v0  }
0x40: {  	v0 =	vld [tilespmem:s30+$0x0];
	_ =	sdelay $0x3  }
0x41: {  	s31 =	simm.s32 $0x101E0;
	v1 =	vpop (erf)  }
0x42: {  	s0 =	simm.s32 $0x40;
	v0 =	vmul.f32 v1, v0;
	[tilespmem:s31+$0x0] =	vst v1  }
.LBB2_3:
0x43: {  	_ = 	snop  }
0x44: {  	p2 =	sne.s32 s0, $0xF9C0;
	s30 =	sadd.s32 $0x20, s30;
	[tilespmem:s31+$0xFFFFFFF0] =	vst v0;
	s31 =	sadd.s32 $0x20, s31  }
0x45: {  	s9 =	sshra.s32 s0, $0x2;
	s0 =	sadd.s32 $0x40, s0;
	v0 =	vld [tilespmem:s30+$0xFFFFFFF0]  }
0x46: {  	v1 =	vld [tilespmem:s9+$0x84D0];
	_ =	sdelay $0x1  }
0x47: {  	v2 =	vld [tilespmem:s9+$0xC350];
	_ =	sdelay $0x2  }
0x48: {  	v0 =	vadd.f32 v1, v0;
	_ =	sdelay $0x1  }
0x49: {  	v0 =	vadd.f32 v2, v0;
	_ =	sdelay $0x1  }
0x4a: {  	[tilespmem:s9+$0x84D0] =	vst v0;
	v0 =	vsub.f32 $0.0e+00, v0;
	_ =	sdelay $0x1  }
0x4b: {  	v0 =	vmul.f32 $1.442695020e+00, v0;
	_ =	sdelay $0x1  }
0x4c: {  	(erf) = vpow2.f32 v0;
	_ =	sdelay $0x8  }
0x4d: {  	v0 =	vpop (erf)  }
0x4e: {  	v0 =	vadd.f32 $1.000000000e+00, v0;
	_ =	sdelay $0x1  }
0x4f: {  	(erf) = vrcp.f32 v0;
	_ =	sdelay $0x4  }
0x50: {  	v0 =	vld [tilespmem:s30+$0x0]  }
.Ltmp0:
0x51: {  	(pc) =	sbr.rel @p2 .LBB2_3-.Ltmp0, $3  }
0x52: {  	_ =	sdelay $0x1  }
0x53: {  	v1 =	vpop (erf)  }
0x54: {  	v0 =	vmul.f32 v1, v0;
	[tilespmem:s31+$0x0] =	vst v1  }
0x55: {  	_ = 	snop  }
0x56: {  	s0 =	sadd.s32 s10, s29;
	[tilespmem:s31+$0xFFFFFFF0] =	vst v0  }
0x57: {  	[hbm4b:s0+s5] =	stream.linear.scatter [tilespmem:s18], [sflag:$0x3], $0x3E80, $0x38;
	[tilespmem:$0x1CCF0] =	vst v63  }
0x58: {  	s28 =	sadd.s32 $0x1, s28;
	_ =	swait.ge [sflag:s15], $0x3E80  }
0x59: {  	p2 =	sne.s32 s28, $0x5;
	[sflag:s15] =	ssyncset.done $0x0  }
.Ltmp1:
0x5a: {  	[sflag:s15] =	ssyncadd.s32 $0xFFFFC180;
	(pc) =	sbr.rel @p2 .LBB2_2-.Ltmp1, $4  }
0x5b: {  	[spmem:s4] =	stream.indirect.scatter.add.f32 [tilespmem:s22], [sflag:$0x3], $0x20, s16, s16, $0xb8;
	[tilespmem:$0x1CCF0] =	vst v63  }
0x5c: {  	_ =	swait.ge [sflag:s15], $0x7D00  }
0x5d: {  	[sflag:s15] =	ssyncset.done $0x0  }
0x5e: {  	[sflag:s15] =	ssyncadd.s32 $0xFFFF8300  }
0x5f: {  	[bflag:$0x0] =	sbarrier.arrive $0xFFFF;
	s0 =	sadd.s32 @p1 $0x9240, s12;
	s9 =	simm.s32 @p1 $0x1FC3  }
0x60: {  	[hbm:s0], [sflag:s9] =	dma.local @p1 [spmem:s23], $0xA00  }
0x61: {  	s0 =	simm.s32 @p1 $0x3  }
0x62: {  	s9 =	stileid.u32;
	_ =	swait.ge @p1 [sflag:s0], $0xA00  }
0x63: {  	s26 =	sadd.s32 $0x1, s26;
	s9 =	sshll.u32 @!p1 s9, $0x6;
	[sflag:s0] =	ssyncset.done @p1 $0x0  }
0x64: {  	p2 =	sne.s32 s26, s13;
	[sflag:s0] =	ssyncadd.s32 @p1 $0xFFFFF600;
	s0 =	sor.u32 @!p1 $0x1C03, s9  }
0x65: {  	[hbm:s24], [sflag:s0] =	dma.local @!p1 [spmem:s25], $0x9C0  }
.Ltmp2:
0x66: {  	_ = 	snop;
	(pc) =	sbr.rel @p2 .LBB2_1-.Ltmp2, $4  }
0x67: {  	s0 =	simm.s32 @!p1 $0x3  }
0x68: {  	_ =	swait.ge @!p1 [sflag:s0], $0x9C0  }
0x69: {  	[sflag:s0] =	ssyncset.done @!p1 $0x0  }
0x6a: {  	[sflag:s0] =	ssyncadd.s32 @!p1 $0xFFFFF640  }
0x6b: {  	_ =	sfence.sel $0x180000  }
0x6c: {  	[bflag:$0x0] =	sbarrier.arrive $0xFFFF  }
0x6d: {  	_ =	strace $0x90000047  }
0x6e: {  	[bflag:$0x2] =	sbarrier.arrive $0xFFFF  }
0x6f: {  	s0 =	rddreg [dreg:$0x6]  }
0x70: {  	s0 =	sadd.s32 @!p0 $0x100000, s0  }
0x71: {  	[sflag:s0] =	ssyncadd.tile.s32 @!p0 $0x1;
	_ =	shalt  }
.Lfunc_end2:
_tile_overlayer_lowered:
.L_overlay_start_2:
0x72: {  	(tag) =	ssettag $0x2  }
0x73: {  	s0 =	rddreg [dreg:$0x0];
	s2 =	stileid.u32  }
0x74: {  	s1 =	rddreg [dreg:$0x1];
	p0 =	sne.s32 s2, $0x0  }
0x75: {  	s3 =	rddreg [dreg:$0x2];
	[bflag:$0x3] =	sbarrier.arrive $0xFFFF;
	s2 =	simm.s32 @!p0 $0x1C03  }
0x76: {  	[timem:s3], [sflag:s2] =	dma.local @!p0 [hbm:s0], s1  }
0x77: {  	s0 =	simm.s32 @!p0 $0x3  }
0x78: {  	_ =	swait.ge @!p0 [sflag:s0], s1  }
0x79: {  	s1 =	ssub.s32 @!p0 $0x0, s1;
	[sflag:s0] =	ssyncset.done @!p0 $0x0  }
0x7a: {  	[sflag:s0] =	ssyncadd.s32 @!p0 s1  }
0x7b: {  	[bflag:$0x3] =	sbarrier.arrive $0xFFFF  }
0x7c: {  	_ =	shalt  }

</sc_bundles>
